<compile_context>
chip_gen: v7x
topology: tpu7x:2x2x1
jax: 0.10.2.dev20260603
libtpu: 0.0.44.dev20260713+nightly
codegen_flags: <defaults>
</compile_context>

<pallas_src>
import functools

import jax
import jax.numpy as jnp
from jax import lax
from jax.experimental import pallas as pl
from jax.experimental.pallas import tpu as pltpu
from jax.experimental.pallas import tpu_sc as plsc

B, L = 1024, 200
RESP_DIM = 16
EMB_DIM = 64
HIDDEN = 256
MAX_ELAPSED = 300
MAX_LAG = 1440
N_ELAPSED = MAX_ELAPSED + 2
N_LAG = MAX_LAG // 10 + 7

N_TOK = B * L
NW = 32
PER_W = N_TOK // NW
CH = 640
NCH = PER_W // CH

_INV_SQRT_BN = 1.0 / (1.0 + 1e-5) ** 0.5


def _scan_kernel(ids_ref, ts_ref, el_ref, bn_ref, s_ref, lidx_ref, eidx_ref):
    ts = ts_ref[...]
    R = ts.shape[0]
    prev = jnp.concatenate([ts[:, :1], ts[:, :-1]], axis=1)
    d = jnp.where(prev < ts, prev, -1)
    k = 1
    while k < L:
        shifted = jnp.concatenate(
            [jnp.full((R, k), -1, jnp.int32), d[:, : L - k]], axis=1)
        d = jnp.maximum(d, shifted)
        k *= 2
    prev_distinct = jnp.where(d < 0, ts, d)
    lag_ms = (ts - prev_distinct).astype(jnp.float32)
    lag = jnp.clip(lag_ms / 60000.0, 0.0, float(MAX_LAG))

    lag_cat = jnp.where(lag < 6.0, lag.astype(jnp.int32),
                        ((lag - 1.0) / 10.0).astype(jnp.int32) + 6)
    el = el_ref[...]
    el_cat = jnp.clip(el.astype(jnp.int32) + 1, 0, MAX_ELAPSED)
    lidx_ref[...] = lag_cat
    eidx_ref[...] = el_cat

    g0 = bn_ref[0]
    g1 = bn_ref[1]
    b0 = bn_ref[2]
    b1 = bn_ref[3]
    x0 = jnp.log1p(lag) * (_INV_SQRT_BN * g0) + b0
    x1 = jnp.clip(el, 0.0, float(MAX_ELAPSED)) * (_INV_SQRT_BN * g1) + b1

    ids = ids_ref[...]
    slots = jnp.stack([
        (ids == 0).astype(jnp.float32),
        (ids == 1).astype(jnp.float32),
        (ids == 2).astype(jnp.float32),
        (ids == 3).astype(jnp.float32),
        x0,
        x1,
        jnp.ones((R, L), jnp.float32),
        jnp.zeros((R, L), jnp.float32),
    ], axis=1)
    s_ref[...] = jnp.swapaxes(slots, 1, 2)


def _sc_gather(ltab_ref, etab_ref, lidx_ref, eidx_ref, glag_ref, gel_ref,
               lidx_v, lrows_v, eidx_v, erows_v, sem_l, sem_e):
    wid = lax.axis_index("s") * 2 + lax.axis_index("c")
    base = wid * PER_W

    def body(ci, carry):
        off = base + ci * CH
        pltpu.sync_copy(lidx_ref.at[pl.ds(off, CH)], lidx_v)
        pltpu.sync_copy(eidx_ref.at[pl.ds(off, CH)], eidx_v)
        a = pltpu.async_copy(ltab_ref.at[lidx_v], lrows_v, sem_l)
        b = pltpu.async_copy(etab_ref.at[eidx_v], erows_v, sem_e)
        a.wait()
        b.wait()
        pltpu.sync_copy(lrows_v, glag_ref.at[pl.ds(off, CH)])
        pltpu.sync_copy(erows_v, gel_ref.at[pl.ds(off, CH)])
        return carry

    lax.fori_loop(0, NCH, body, 0)


GW = 128


def _emb_kernel(s_ref, glag_ref, gel_ref, resp_ref, numw_ref, numb_ref,
                linw_ref, linb_ref, lng_ref, lnb_ref, out_ref,
                dense_ref, ones_ref):
    @pl.when(pl.program_id(0) == 0)
    def _fold():
        w = linw_ref[...]
        z = lambda n: jnp.zeros((n, HIDDEN), jnp.float32)
        t_resp = jnp.dot(resp_ref[...], w[0:RESP_DIM],
                         preferred_element_type=jnp.float32)
        w_num = w[RESP_DIM:RESP_DIM + EMB_DIM]
        m = jnp.dot(numw_ref[...], w_num, preferred_element_type=jnp.float32)
        bias = linb_ref[...] + jnp.dot(numb_ref[...], w_num,
                                       preferred_element_type=jnp.float32)
        dense_ref[...] = jnp.concatenate([t_resp, m, bias, z(1)], axis=0)
        ones_ref[...] = jnp.full((HIDDEN, HIDDEN), 1.0 / HIDDEN, jnp.float32)

    w = linw_ref[...]
    acc = jnp.dot(s_ref[...], dense_ref[...], preferred_element_type=jnp.float32)
    acc = acc + jnp.dot(glag_ref[...],
                        w[RESP_DIM + EMB_DIM:RESP_DIM + 2 * EMB_DIM],
                        preferred_element_type=jnp.float32)
    acc = acc + jnp.dot(gel_ref[...],
                        w[RESP_DIM + 2 * EMB_DIM:RESP_DIM + 3 * EMB_DIM],
                        preferred_element_type=jnp.float32)

    mu = jnp.dot(acc, ones_ref[...], preferred_element_type=jnp.float32)
    dc = acc - mu
    var = jnp.dot(dc * dc, ones_ref[...], preferred_element_type=jnp.float32)
    out = dc * lax.rsqrt(var + 1e-12) * lng_ref[...] + lnb_ref[...]
    out_ref[...] = out


def kernel(input_ids, timestamp, elapsed_time, resp_emb, bn_gamma, bn_beta,
           num_W, num_b, elapsed_emb, lag_emb, lin_W, lin_b, ln_gamma, ln_beta):
    R = 128
    bn = jnp.concatenate([bn_gamma, bn_beta]).astype(jnp.float32)
    s, lidx, eidx = pl.pallas_call(
        _scan_kernel,
        grid=(B // R,),
        in_specs=[
            pl.BlockSpec((R, L), lambda i: (i, 0)),
            pl.BlockSpec((R, L), lambda i: (i, 0)),
            pl.BlockSpec((R, L), lambda i: (i, 0)),
            pl.BlockSpec(memory_space=pltpu.SMEM),
        ],
        out_specs=[pl.BlockSpec((R, L, 8), lambda i: (i, 0, 0)),
                   pl.BlockSpec((R, L), lambda i: (i, 0)),
                   pl.BlockSpec((R, L), lambda i: (i, 0))],
        out_shape=[jax.ShapeDtypeStruct((B, L, 8), jnp.float32),
                   jax.ShapeDtypeStruct((B, L), jnp.int32),
                   jax.ShapeDtypeStruct((B, L), jnp.int32)],
    )(input_ids, timestamp, elapsed_time, bn)

    s = s.reshape(N_TOK, 8)
    lidx = lidx.reshape(N_TOK)
    eidx = eidx.reshape(N_TOK)

    mesh = plsc.VectorSubcoreMesh(core_axis_name="c", subcore_axis_name="s")
    glag, gel = pl.kernel(
        _sc_gather,
        out_type=[jax.ShapeDtypeStruct((N_TOK, EMB_DIM), jnp.float32),
                  jax.ShapeDtypeStruct((N_TOK, EMB_DIM), jnp.float32)],
        mesh=mesh,
        compiler_params=pltpu.CompilerParams(use_tc_tiling_on_sc=False),
        scratch_types=[
            pltpu.VMEM((CH,), jnp.int32),
            pltpu.VMEM((CH, EMB_DIM), jnp.float32),
            pltpu.VMEM((CH,), jnp.int32),
            pltpu.VMEM((CH, EMB_DIM), jnp.float32),
            pltpu.SemaphoreType.DMA,
            pltpu.SemaphoreType.DMA,
        ],
    )(lag_emb, elapsed_emb, lidx, eidx)

    T = 2048
    full = lambda shape: pl.BlockSpec(shape, lambda i: tuple(0 for _ in shape))
    out = pl.pallas_call(
        _emb_kernel,
        grid=(N_TOK // T,),
        in_specs=[
            pl.BlockSpec((T, 8), lambda i: (i, 0)),
            pl.BlockSpec((T, EMB_DIM), lambda i: (i, 0)),
            pl.BlockSpec((T, EMB_DIM), lambda i: (i, 0)),
            full((4, RESP_DIM)),
            full((2, EMB_DIM)),
            full((1, EMB_DIM)),
            full((RESP_DIM + 3 * EMB_DIM, HIDDEN)),
            full((1, HIDDEN)),
            full((1, HIDDEN)),
            full((1, HIDDEN)),
        ],
        out_specs=pl.BlockSpec((T, HIDDEN), lambda i: (i, 0)),
        out_shape=jax.ShapeDtypeStruct((N_TOK, HIDDEN), jnp.float32),
        scratch_shapes=[pltpu.VMEM((8, HIDDEN), jnp.float32),
                        pltpu.VMEM((HIDDEN, HIDDEN), jnp.float32)],
    )(s, glag, gel, resp_emb, num_W, num_b.reshape(1, EMB_DIM),
      lin_W, lin_b.reshape(1, HIDDEN), ln_gamma.reshape(1, HIDDEN),
      ln_beta.reshape(1, HIDDEN))
    return out.reshape(B, L, HIDDEN)

# --- scband reference (transcript-rebuilt; emitter-appended) ---
"""Pipeline reference for scband-decoder-embeddings-8065948582458 (READ-ONLY COPY).

The authoritative reference and input builder live on the scoring server;
editing this copy changes nothing except your own understanding.
"""

import jax, jax.numpy as jnp
import numpy as np

B, L = 1024, 200
RESP_DIM = 16
EMB_DIM = 64
HIDDEN = 256
MAX_ELAPSED = 300
MAX_LAG = 1440
N_ELAPSED = MAX_ELAPSED + 2
N_LAG = MAX_LAG // 10 + 7


def setup_inputs(seed: int = 0):
    key = jax.random.key(seed)
    ks = jax.random.split(key, 12)
    input_ids = jax.random.randint(ks[0], (B, L), 0, 4, dtype=jnp.int32)
    timestamp = jnp.sort(jax.random.randint(ks[1], (B, L), 0, 36000000, dtype=jnp.int32), axis=-1)
    elapsed_time = jax.random.uniform(ks[2], (B, L), dtype=jnp.float32) * MAX_ELAPSED
    resp_emb = (jax.random.normal(ks[3], (4, RESP_DIM), dtype=jnp.float32) * 0.02).at[0].set(0.0)
    bn_gamma = jnp.ones((2,), dtype=jnp.float32)
    bn_beta = jnp.zeros((2,), dtype=jnp.float32)
    num_W = jax.random.normal(ks[4], (2, EMB_DIM), dtype=jnp.float32) * 0.1
    num_b = jnp.zeros((EMB_DIM,), dtype=jnp.float32)
    elapsed_emb = (jax.random.normal(ks[5], (N_ELAPSED, EMB_DIM), dtype=jnp.float32) * 0.02).at[0].set(0.0)
    lag_emb = (jax.random.normal(ks[6], (N_LAG, EMB_DIM), dtype=jnp.float32) * 0.02).at[0].set(0.0)
    lin_W = jax.random.normal(ks[7], (RESP_DIM + 3 * EMB_DIM, HIDDEN), dtype=jnp.float32) * 0.02
    lin_b = jnp.zeros((HIDDEN,), dtype=jnp.float32)
    ln_gamma = jnp.ones((HIDDEN,), dtype=jnp.float32)
    ln_beta = jnp.zeros((HIDDEN,), dtype=jnp.float32)
    return {"input_ids": input_ids, "timestamp": timestamp, "elapsed_time": elapsed_time,
            "resp_emb": resp_emb, "bn_gamma": bn_gamma, "bn_beta": bn_beta,
            "num_W": num_W, "num_b": num_b, "elapsed_emb": elapsed_emb, "lag_emb": lag_emb,
            "lin_W": lin_W, "lin_b": lin_b, "ln_gamma": ln_gamma, "ln_beta": ln_beta}


def _get_lag_time(timestamp):
    flat = timestamp.reshape(-1)
    change = jnp.concatenate([jnp.zeros((1,), dtype=jnp.int32), (flat[1:] != flat[:-1]).astype(jnp.int32)])
    inverse = jnp.cumsum(change).reshape(timestamp.shape)
    unique_time = jnp.zeros((flat.shape[0],), dtype=flat.dtype).at[inverse.reshape(-1)].set(flat)
    inv_min = inverse.min(axis=1, keepdims=True)
    inv_adj = jnp.maximum(inv_min, inverse - 1)
    lag = (timestamp - unique_time[inv_adj]).astype(jnp.float32) / (1000.0 * 60.0)
    return jnp.clip(lag, 0.0, float(MAX_LAG))


def reference(input_ids, timestamp, elapsed_time, resp_emb, bn_gamma, bn_beta, num_W, num_b, elapsed_emb, lag_emb, lin_W, lin_b, ln_gamma, ln_beta):
    lag = _get_lag_time(timestamp)
    response_embeddings = resp_emb[input_ids]
    elapsed_num = jnp.clip(elapsed_time, 0.0, float(MAX_ELAPSED))
    numerical_states = jnp.stack([jnp.log1p(lag), elapsed_num], axis=-1)
    # BatchNorm1d in eval mode: running_mean=0, running_var=1, eps=1e-5
    xn = numerical_states / jnp.sqrt(1.0 + 1e-5) * bn_gamma + bn_beta
    numerical_embeddings = xn @ num_W + num_b
    lag_cat = jnp.where(lag < 6.0, lag.astype(jnp.int32), ((lag - 1.0) / 10.0).astype(jnp.int32) + 6)
    lag_time_embeddings = lag_emb[lag_cat]
    elapsed_cat = jnp.clip(elapsed_time.astype(jnp.int32) + 1, 0, MAX_ELAPSED)
    elapsed_time_embeddings = elapsed_emb[elapsed_cat]
    emb = jnp.concatenate([response_embeddings, numerical_embeddings, lag_time_embeddings, elapsed_time_embeddings], axis=-1)
    emb = emb @ lin_W + lin_b
    mu = jnp.mean(emb, axis=-1, keepdims=True)
    var = jnp.var(emb, axis=-1, keepdims=True)
    emb = (emb - mu) / jnp.sqrt(var + 1e-12) * ln_gamma + ln_beta
    # dropout is identity in eval mode
    return emb

if __name__ == "__main__":
    import jax
    _d = setup_inputs()
    print(jax.jit(kernel)(*tuple(_d.values())))

</pallas_src>

<mosaic_0001>
#map = affine_map<(d0, d1) -> (0, 0)>
#map1 = affine_map<(d0, d1) -> (0)>
module attributes {stable_mosaic.version = 14 : i64} {
  func.func @_sc_gather(%arg0: i32, %arg1: i32, %arg2: memref<151x64xf32, #tpu.memory_space<hbm>>, %arg3: memref<302x64xf32, #tpu.memory_space<hbm>>, %arg4: memref<204800xi32, #tpu.memory_space<hbm>>, %arg5: memref<204800xi32, #tpu.memory_space<hbm>>, %arg6: memref<204800x64xf32, #tpu.memory_space<hbm>>, %arg7: memref<204800x64xf32, #tpu.memory_space<hbm>>, %arg8: memref<640xi32, #tpu.memory_space<vmem>>, %arg9: memref<640x64xf32, #tpu.memory_space<vmem>>, %arg10: memref<640xi32, #tpu.memory_space<vmem>>, %arg11: memref<640x64xf32, #tpu.memory_space<vmem>>, %arg12: memref<!tpu.dma_semaphore, #tpu.memory_space<semaphore_mem>>, %arg13: memref<!tpu.dma_semaphore, #tpu.memory_space<semaphore_mem>>) attributes {dimension_semantics = [#tpu.dimension_semantics<core_parallel>, #tpu.dimension_semantics<subcore_parallel>], iteration_bounds = array<i64: 2, 16>, scalar_prefetch = 0 : i64, scratch_operands = 6 : i64, tpu.core_type = #tpu.core_type<sc_vector_subcore>, window_params = [{transform_indices = #map}, {transform_indices = #map}, {transform_indices = #map1}, {transform_indices = #map1}, {transform_indices = #map}, {transform_indices = #map}]} {
    %mul3A = arith.constant 2 : i32
    %mul3A_0 = arith.muli %arg1, %mul3A : i32
    %add3A = arith.addi %mul3A_0, %arg0 : i32
    %mul3A_1 = arith.constant 6400 : i32
    %mul3A_2 = arith.muli %add3A, %mul3A_1 : i32
    %scan3A = arith.constant 0 : i32
    %scan3A_3 = arith.constant 0 : i32
    %scan3A_4 = arith.constant 10 : i32
    %scan3A_5 = arith.addi %scan3A_3, %scan3A_4 : i32
    %scan3A_6 = arith.constant 1 : i32
    scf.for %scan3A_8 = %scan3A_3 to %scan3A_5 step %scan3A_6  : i32 {
      %mul3A_9 = arith.constant 640 : i32
      %mul3A_10 = arith.muli %scan3A_8, %mul3A_9 : i32
      %add3A_11 = arith.addi %mul3A_2, %mul3A_10 : i32
      "tpu.region"() ({
        %run_scoped3A = tpu.sem_alloc : memref<!tpu.dma_semaphore, #tpu.memory_space<semaphore_mem>>
        %dma_start3A_22 = tpu.memref_slice %arg4[%add3A_11] : memref<204800xi32, #tpu.memory_space<hbm>> -> memref<640xi32, #tpu.memory_space<hbm>>
        %dma_start3A_23 = tpu.memref_slice %arg4[%add3A_11] : memref<204800xi32, #tpu.memory_space<hbm>> -> memref<640xi32, #tpu.memory_space<hbm>>
        tpu.enqueue_dma source(%dma_start3A_23 : memref<640xi32, #tpu.memory_space<hbm>>) target(%arg8 : memref<640xi32, #tpu.memory_space<vmem>>) target_semaphore(%run_scoped3A : memref<!tpu.dma_semaphore, #tpu.memory_space<semaphore_mem>>)
        %dma_wait3A_24 = tpu.memref_slice %arg4[%add3A_11] : memref<204800xi32, #tpu.memory_space<hbm>> -> memref<640xi32, #tpu.memory_space<hbm>>
        %dma_wait3A_25 = tpu.memref_slice %arg4[%add3A_11] : memref<204800xi32, #tpu.memory_space<hbm>> -> memref<640xi32, #tpu.memory_space<hbm>>
        tpu.wait_dma2 semaphore(%run_scoped3A : memref<!tpu.dma_semaphore, #tpu.memory_space<semaphore_mem>>) src(%dma_wait3A_25 : memref<640xi32, #tpu.memory_space<hbm>>) dst(%arg8 : memref<640xi32, #tpu.memory_space<vmem>>)
        tpu.yield
      }) : () -> ()
      "tpu.region"() ({
        %run_scoped3A = tpu.sem_alloc : memref<!tpu.dma_semaphore, #tpu.memory_space<semaphore_mem>>
        %dma_start3A_22 = tpu.memref_slice %arg5[%add3A_11] : memref<204800xi32, #tpu.memory_space<hbm>> -> memref<640xi32, #tpu.memory_space<hbm>>
        %dma_start3A_23 = tpu.memref_slice %arg5[%add3A_11] : memref<204800xi32, #tpu.memory_space<hbm>> -> memref<640xi32, #tpu.memory_space<hbm>>
        tpu.enqueue_dma source(%dma_start3A_23 : memref<640xi32, #tpu.memory_space<hbm>>) target(%arg10 : memref<640xi32, #tpu.memory_space<vmem>>) target_semaphore(%run_scoped3A : memref<!tpu.dma_semaphore, #tpu.memory_space<semaphore_mem>>)
        %dma_wait3A_24 = tpu.memref_slice %arg5[%add3A_11] : memref<204800xi32, #tpu.memory_space<hbm>> -> memref<640xi32, #tpu.memory_space<hbm>>
        %dma_wait3A_25 = tpu.memref_slice %arg5[%add3A_11] : memref<204800xi32, #tpu.memory_space<hbm>> -> memref<640xi32, #tpu.memory_space<hbm>>
        tpu.wait_dma2 semaphore(%run_scoped3A : memref<!tpu.dma_semaphore, #tpu.memory_space<semaphore_mem>>) src(%dma_wait3A_25 : memref<640xi32, #tpu.memory_space<hbm>>) dst(%arg10 : memref<640xi32, #tpu.memory_space<vmem>>)
        tpu.yield
      }) : () -> ()
      %dma_start3A = arith.constant 0 : i32
      %dma_start3A_12 = arith.constant 0 : i32
      %dma_start3A_13 = tpu.memref_slice %arg2[%dma_start3A, %dma_start3A_12] : memref<151x64xf32, #tpu.memory_space<hbm>> -> memref<151x64xf32, #tpu.memory_space<hbm>>
      tpu.enqueue_indirect_dma source(%dma_start3A_13 : memref<151x64xf32, #tpu.memory_space<hbm>>) target(%arg9 : memref<640x64xf32, #tpu.memory_space<vmem>>) offsets(%arg8 : memref<640xi32, #tpu.memory_space<vmem>>) semaphore(%arg12 : memref<!tpu.dma_semaphore, #tpu.memory_space<semaphore_mem>>)
      %dma_start3A_14 = arith.constant 0 : i32
      %dma_start3A_15 = arith.constant 0 : i32
      %dma_start3A_16 = tpu.memref_slice %arg3[%dma_start3A_14, %dma_start3A_15] : memref<302x64xf32, #tpu.memory_space<hbm>> -> memref<302x64xf32, #tpu.memory_space<hbm>>
      tpu.enqueue_indirect_dma source(%dma_start3A_16 : memref<302x64xf32, #tpu.memory_space<hbm>>) target(%arg11 : memref<640x64xf32, #tpu.memory_space<vmem>>) offsets(%arg10 : memref<640xi32, #tpu.memory_space<vmem>>) semaphore(%arg13 : memref<!tpu.dma_semaphore, #tpu.memory_space<semaphore_mem>>)
      %dma_wait3A = arith.constant 0 : i32
      %dma_wait3A_17 = arith.constant 0 : i32
      %dma_wait3A_18 = tpu.memref_slice %arg2[%dma_wait3A, %dma_wait3A_17] : memref<151x64xf32, #tpu.memory_space<hbm>> -> memref<151x64xf32, #tpu.memory_space<hbm>>
      tpu.wait_indirect_dma semaphore(%arg12 : memref<!tpu.dma_semaphore, #tpu.memory_space<semaphore_mem>>) src(%dma_wait3A_18 : memref<151x64xf32, #tpu.memory_space<hbm>>) dst(%arg9 : memref<640x64xf32, #tpu.memory_space<vmem>>)
      %dma_wait3A_19 = arith.constant 0 : i32
      %dma_wait3A_20 = arith.constant 0 : i32
      %dma_wait3A_21 = tpu.memref_slice %arg3[%dma_wait3A_19, %dma_wait3A_20] : memref<302x64xf32, #tpu.memory_space<hbm>> -> memref<302x64xf32, #tpu.memory_space<hbm>>
      tpu.wait_indirect_dma semaphore(%arg13 : memref<!tpu.dma_semaphore, #tpu.memory_space<semaphore_mem>>) src(%dma_wait3A_21 : memref<302x64xf32, #tpu.memory_space<hbm>>) dst(%arg11 : memref<640x64xf32, #tpu.memory_space<vmem>>)
      "tpu.region"() ({
        %run_scoped3A = tpu.sem_alloc : memref<!tpu.dma_semaphore, #tpu.memory_space<semaphore_mem>>
        %dma_start3A_22 = arith.constant 0 : i32
        %dma_start3A_23 = tpu.memref_slice %arg6[%add3A_11, %dma_start3A_22] : memref<204800x64xf32, #tpu.memory_space<hbm>> -> memref<640x64xf32, #tpu.memory_space<hbm>>
        %dma_start3A_24 = arith.constant 0 : i32
        %dma_start3A_25 = tpu.memref_slice %arg6[%add3A_11, %dma_start3A_24] : memref<204800x64xf32, #tpu.memory_space<hbm>> -> memref<640x64xf32, #tpu.memory_space<hbm>>
        tpu.enqueue_dma source(%arg9 : memref<640x64xf32, #tpu.memory_space<vmem>>) target(%dma_start3A_25 : memref<640x64xf32, #tpu.memory_space<hbm>>) target_semaphore(%run_scoped3A : memref<!tpu.dma_semaphore, #tpu.memory_space<semaphore_mem>>)
        %dma_wait3A_26 = arith.constant 0 : i32
        %dma_wait3A_27 = tpu.memref_slice %arg6[%add3A_11, %dma_wait3A_26] : memref<204800x64xf32, #tpu.memory_space<hbm>> -> memref<640x64xf32, #tpu.memory_space<hbm>>
        %dma_wait3A_28 = arith.constant 0 : i32
        %dma_wait3A_29 = tpu.memref_slice %arg6[%add3A_11, %dma_wait3A_28] : memref<204800x64xf32, #tpu.memory_space<hbm>> -> memref<640x64xf32, #tpu.memory_space<hbm>>
        tpu.wait_dma2 semaphore(%run_scoped3A : memref<!tpu.dma_semaphore, #tpu.memory_space<semaphore_mem>>) src(%arg9 : memref<640x64xf32, #tpu.memory_space<vmem>>) dst(%dma_wait3A_29 : memref<640x64xf32, #tpu.memory_space<hbm>>)
        tpu.yield
      }) : () -> ()
      "tpu.region"() ({
        %run_scoped3A = tpu.sem_alloc : memref<!tpu.dma_semaphore, #tpu.memory_space<semaphore_mem>>
        %dma_start3A_22 = arith.constant 0 : i32
        %dma_start3A_23 = tpu.memref_slice %arg7[%add3A_11, %dma_start3A_22] : memref<204800x64xf32, #tpu.memory_space<hbm>> -> memref<640x64xf32, #tpu.memory_space<hbm>>
        %dma_start3A_24 = arith.constant 0 : i32
        %dma_start3A_25 = tpu.memref_slice %arg7[%add3A_11, %dma_start3A_24] : memref<204800x64xf32, #tpu.memory_space<hbm>> -> memref<640x64xf32, #tpu.memory_space<hbm>>
        tpu.enqueue_dma source(%arg11 : memref<640x64xf32, #tpu.memory_space<vmem>>) target(%dma_start3A_25 : memref<640x64xf32, #tpu.memory_space<hbm>>) target_semaphore(%run_scoped3A : memref<!tpu.dma_semaphore, #tpu.memory_space<semaphore_mem>>)
        %dma_wait3A_26 = arith.constant 0 : i32
        %dma_wait3A_27 = tpu.memref_slice %arg7[%add3A_11, %dma_wait3A_26] : memref<204800x64xf32, #tpu.memory_space<hbm>> -> memref<640x64xf32, #tpu.memory_space<hbm>>
        %dma_wait3A_28 = arith.constant 0 : i32
        %dma_wait3A_29 = tpu.memref_slice %arg7[%add3A_11, %dma_wait3A_28] : memref<204800x64xf32, #tpu.memory_space<hbm>> -> memref<640x64xf32, #tpu.memory_space<hbm>>
        tpu.wait_dma2 semaphore(%run_scoped3A : memref<!tpu.dma_semaphore, #tpu.memory_space<semaphore_mem>>) src(%arg11 : memref<640x64xf32, #tpu.memory_space<vmem>>) dst(%dma_wait3A_29 : memref<640x64xf32, #tpu.memory_space<hbm>>)
        tpu.yield
      }) : () -> ()
    }
    %scan3A_7 = arith.constant 10 : i32
    return
  }
}

module attributes {stable_mosaic.version = 14 : i64} {
  func.func @_scan_kernel(%arg0: i32, %arg1: memref<128x200xi32, #tpu.memory_space<vmem>>, %arg2: memref<128x200xi32, #tpu.memory_space<vmem>>, %arg3: memref<128x200xf32, #tpu.memory_space<vmem>>, %arg4: memref<4xf32, #tpu.memory_space<smem>>, %arg5: memref<128x200x8xf32, #tpu.memory_space<vmem>>, %arg6: memref<128x200xi32, #tpu.memory_space<vmem>>, %arg7: memref<128x200xi32, #tpu.memory_space<vmem>>) attributes {dimension_semantics = [#tpu.dimension_semantics<arbitrary>], iteration_bounds = array<i64: 8>, scalar_prefetch = 0 : i64, scratch_operands = 0 : i64, tpu.core_type = #tpu.core_type<tc>, window_params = [{transform_indices = @transform_0, window_bounds = array<i64: 128, 200>}, {transform_indices = @transform_1, window_bounds = array<i64: 128, 200>}, {transform_indices = @transform_2, window_bounds = array<i64: 128, 200>}, {transform_indices = @transform_3, window_bounds = array<i64: 4>}, {transform_indices = @transform_4, window_bounds = array<i64: 128, 200, 8>}, {transform_indices = @transform_5, window_bounds = array<i64: 128, 200>}, {transform_indices = @transform_6, window_bounds = array<i64: 128, 200>}]} {
    %get3A = arith.constant 0 : index
    %get3A_0 = arith.constant 0 : index
    %get3A_1 = vector.load %arg2[%get3A, %get3A_0] : memref<128x200xi32, #tpu.memory_space<vmem>>, vector<128x200xi32>
    %slice3A = vector.extract_strided_slice %get3A_1 {offsets = [0, 0], sizes = [128, 1], strides = [1, 1]} : vector<128x200xi32> to vector<128x1xi32>
    %slice3A_2 = vector.extract_strided_slice %get3A_1 {offsets = [0, 0], sizes = [128, 199], strides = [1, 1]} : vector<128x200xi32> to vector<128x199xi32>
    %concatenate3A = tpu.concatenate %slice3A, %slice3A_2 in 1 : vector<128x1xi32>, vector<128x199xi32> -> vector<128x200xi32>
    %lt3A = arith.cmpi slt, %concatenate3A, %get3A_1 : vector<128x200xi32>
    %jit3A = arith.constant -1 : i32
    %broadcast_in_dim3A = vector.broadcast %jit3A : i32 to vector<128x200xi32>
    %select_n3A = arith.select %lt3A, %concatenate3A, %broadcast_in_dim3A : vector<128x200xi1>, vector<128x200xi32>
    %broadcast_in_dim3A_3 = arith.constant -1 : i32
    %broadcast_in_dim3A_4 = vector.broadcast %broadcast_in_dim3A_3 : i32 to vector<128x1xi32>
    %slice3A_5 = vector.extract_strided_slice %select_n3A {offsets = [0, 0], sizes = [128, 199], strides = [1, 1]} : vector<128x200xi32> to vector<128x199xi32>
    %concatenate3A_6 = tpu.concatenate %broadcast_in_dim3A_4, %slice3A_5 in 1 : vector<128x1xi32>, vector<128x199xi32> -> vector<128x200xi32>
    %max3A = arith.maxsi %select_n3A, %concatenate3A_6 : vector<128x200xi32>
    %broadcast_in_dim3A_7 = arith.constant -1 : i32
    %broadcast_in_dim3A_8 = vector.broadcast %broadcast_in_dim3A_7 : i32 to vector<128x2xi32>
    %slice3A_9 = vector.extract_strided_slice %max3A {offsets = [0, 0], sizes = [128, 198], strides = [1, 1]} : vector<128x200xi32> to vector<128x198xi32>
    %concatenate3A_10 = tpu.concatenate %broadcast_in_dim3A_8, %slice3A_9 in 1 : vector<128x2xi32>, vector<128x198xi32> -> vector<128x200xi32>
    %max3A_11 = arith.maxsi %max3A, %concatenate3A_10 : vector<128x200xi32>
    %broadcast_in_dim3A_12 = arith.constant -1 : i32
    %broadcast_in_dim3A_13 = vector.broadcast %broadcast_in_dim3A_12 : i32 to vector<128x4xi32>
    %slice3A_14 = vector.extract_strided_slice %max3A_11 {offsets = [0, 0], sizes = [128, 196], strides = [1, 1]} : vector<128x200xi32> to vector<128x196xi32>
    %concatenate3A_15 = tpu.concatenate %broadcast_in_dim3A_13, %slice3A_14 in 1 : vector<128x4xi32>, vector<128x196xi32> -> vector<128x200xi32>
    %max3A_16 = arith.maxsi %max3A_11, %concatenate3A_15 : vector<128x200xi32>
    %broadcast_in_dim3A_17 = arith.constant -1 : i32
    %broadcast_in_dim3A_18 = vector.broadcast %broadcast_in_dim3A_17 : i32 to vector<128x8xi32>
    %slice3A_19 = vector.extract_strided_slice %max3A_16 {offsets = [0, 0], sizes = [128, 192], strides = [1, 1]} : vector<128x200xi32> to vector<128x192xi32>
    %concatenate3A_20 = tpu.concatenate %broadcast_in_dim3A_18, %slice3A_19 in 1 : vector<128x8xi32>, vector<128x192xi32> -> vector<128x200xi32>
    %max3A_21 = arith.maxsi %max3A_16, %concatenate3A_20 : vector<128x200xi32>
    %broadcast_in_dim3A_22 = arith.constant -1 : i32
    %broadcast_in_dim3A_23 = vector.broadcast %broadcast_in_dim3A_22 : i32 to vector<128x16xi32>
    %slice3A_24 = vector.extract_strided_slice %max3A_21 {offsets = [0, 0], sizes = [128, 184], strides = [1, 1]} : vector<128x200xi32> to vector<128x184xi32>
    %concatenate3A_25 = tpu.concatenate %broadcast_in_dim3A_23, %slice3A_24 in 1 : vector<128x16xi32>, vector<128x184xi32> -> vector<128x200xi32>
    %max3A_26 = arith.maxsi %max3A_21, %concatenate3A_25 : vector<128x200xi32>
    %broadcast_in_dim3A_27 = arith.constant -1 : i32
    %broadcast_in_dim3A_28 = vector.broadcast %broadcast_in_dim3A_27 : i32 to vector<128x32xi32>
    %slice3A_29 = vector.extract_strided_slice %max3A_26 {offsets = [0, 0], sizes = [128, 168], strides = [1, 1]} : vector<128x200xi32> to vector<128x168xi32>
    %concatenate3A_30 = tpu.concatenate %broadcast_in_dim3A_28, %slice3A_29 in 1 : vector<128x32xi32>, vector<128x168xi32> -> vector<128x200xi32>
    %max3A_31 = arith.maxsi %max3A_26, %concatenate3A_30 : vector<128x200xi32>
    %broadcast_in_dim3A_32 = arith.constant -1 : i32
    %broadcast_in_dim3A_33 = vector.broadcast %broadcast_in_dim3A_32 : i32 to vector<128x64xi32>
    %slice3A_34 = vector.extract_strided_slice %max3A_31 {offsets = [0, 0], sizes = [128, 136], strides = [1, 1]} : vector<128x200xi32> to vector<128x136xi32>
    %concatenate3A_35 = tpu.concatenate %broadcast_in_dim3A_33, %slice3A_34 in 1 : vector<128x64xi32>, vector<128x136xi32> -> vector<128x200xi32>
    %max3A_36 = arith.maxsi %max3A_31, %concatenate3A_35 : vector<128x200xi32>
    %broadcast_in_dim3A_37 = arith.constant -1 : i32
    %broadcast_in_dim3A_38 = vector.broadcast %broadcast_in_dim3A_37 : i32 to vector<128x128xi32>
    %slice3A_39 = vector.extract_strided_slice %max3A_36 {offsets = [0, 0], sizes = [128, 72], strides = [1, 1]} : vector<128x200xi32> to vector<128x72xi32>
    %concatenate3A_40 = tpu.concatenate %broadcast_in_dim3A_38, %slice3A_39 in 1 : vector<128x128xi32>, vector<128x72xi32> -> vector<128x200xi32>
    %max3A_41 = arith.maxsi %max3A_36, %concatenate3A_40 : vector<128x200xi32>
    %lt3A_42 = arith.constant 0 : i32
    %lt3A_43 = vector.broadcast %lt3A_42 : i32 to vector<128x200xi32>
    %lt3A_44 = arith.cmpi slt, %max3A_41, %lt3A_43 : vector<128x200xi32>
    %select_n3A_45 = arith.select %lt3A_44, %get3A_1, %max3A_41 : vector<128x200xi1>, vector<128x200xi32>
    %sub3A = arith.subi %get3A_1, %select_n3A_45 : vector<128x200xi32>
    %convert_element_type3A = arith.sitofp %sub3A : vector<128x200xi32> to vector<128x200xf32>
    %div3A = arith.constant 6.000000e+04 : f32
    %div3A_46 = vector.broadcast %div3A : f32 to vector<128x200xf32>
    %div3A_47 = arith.divf %convert_element_type3A, %div3A_46 : vector<128x200xf32>
    %jit3A_48 = arith.constant 0.000000e+00 : f32
    %jit3A_49 = arith.constant 1.440000e+03 : f32
    %max3A_50 = vector.broadcast %jit3A_48 : f32 to vector<128x200xf32>
    %max3A_51 = arith.maximumf %max3A_50, %div3A_47 : vector<128x200xf32>
    %min3A = vector.broadcast %jit3A_49 : f32 to vector<128x200xf32>
    %min3A_52 = arith.minimumf %min3A, %max3A_51 : vector<128x200xf32>
    %lt3A_53 = arith.constant 6.000000e+00 : f32
    %lt3A_54 = vector.broadcast %lt3A_53 : f32 to vector<128x200xf32>
    %lt3A_55 = arith.cmpf olt, %min3A_52, %lt3A_54 : vector<128x200xf32>
    %convert_element_type3A_56 = arith.fptosi %min3A_52 : vector<128x200xf32> to vector<128x200xi32>
    %sub3A_57 = arith.constant 1.000000e+00 : f32
    %sub3A_58 = vector.broadcast %sub3A_57 : f32 to vector<128x200xf32>
    %sub3A_59 = arith.subf %min3A_52, %sub3A_58 : vector<128x200xf32>
    %div3A_60 = arith.constant 1.000000e+01 : f32
    %div3A_61 = vector.broadcast %div3A_60 : f32 to vector<128x200xf32>
    %div3A_62 = arith.divf %sub3A_59, %div3A_61 : vector<128x200xf32>
    %convert_element_type3A_63 = arith.fptosi %div3A_62 : vector<128x200xf32> to vector<128x200xi32>
    %add3A = arith.constant 6 : i32
    %add3A_64 = vector.broadcast %add3A : i32 to vector<128x200xi32>
    %add3A_65 = arith.addi %convert_element_type3A_63, %add3A_64 : vector<128x200xi32>
    %select_n3A_66 = arith.select %lt3A_55, %convert_element_type3A_56, %add3A_65 : vector<128x200xi1>, vector<128x200xi32>
    %get3A_67 = arith.constant 0 : index
    %get3A_68 = arith.constant 0 : index
    %get3A_69 = vector.load %arg3[%get3A_67, %get3A_68] : memref<128x200xf32, #tpu.memory_space<vmem>>, vector<128x200xf32>
    %convert_element_type3A_70 = arith.fptosi %get3A_69 : vector<128x200xf32> to vector<128x200xi32>
    %add3A_71 = arith.constant 1 : i32
    %add3A_72 = vector.broadcast %add3A_71 : i32 to vector<128x200xi32>
    %add3A_73 = arith.addi %convert_element_type3A_70, %add3A_72 : vector<128x200xi32>
    %jit3A_74 = arith.constant 0 : i32
    %jit3A_75 = arith.constant 300 : i32
    %max3A_76 = vector.broadcast %jit3A_74 : i32 to vector<128x200xi32>
    %max3A_77 = arith.maxsi %max3A_76, %add3A_73 : vector<128x200xi32>
    %min3A_78 = vector.broadcast %jit3A_75 : i32 to vector<128x200xi32>
    %min3A_79 = arith.minsi %min3A_78, %max3A_77 : vector<128x200xi32>
    %swap3A = arith.constant 0 : index
    %swap3A_80 = arith.constant 0 : index
    %swap3A_81 = vector.load %arg6[%swap3A, %swap3A_80] : memref<128x200xi32, #tpu.memory_space<vmem>>, vector<128x200xi32>
    tpu.vector_store %arg6[%swap3A, %swap3A_80], %select_n3A_66 {strides = array<i32>} : memref<128x200xi32, #tpu.memory_space<vmem>>, vector<128x200xi32>,
    %swap3A_82 = arith.constant 0 : index
    %swap3A_83 = arith.constant 0 : index
    %swap3A_84 = vector.load %arg7[%swap3A_82, %swap3A_83] : memref<128x200xi32, #tpu.memory_space<vmem>>, vector<128x200xi32>
    tpu.vector_store %arg7[%swap3A_82, %swap3A_83], %min3A_79 {strides = array<i32>} : memref<128x200xi32, #tpu.memory_space<vmem>>, vector<128x200xi32>,
    %get3A_85 = arith.constant 0 : index
    %get3A_86 = memref.load %arg4[%get3A_85] : memref<4xf32, #tpu.memory_space<smem>>
    %get3A_87 = arith.constant 1 : index
    %get3A_88 = memref.load %arg4[%get3A_87] : memref<4xf32, #tpu.memory_space<smem>>
    %get3A_89 = arith.constant 2 : index
    %get3A_90 = memref.load %arg4[%get3A_89] : memref<4xf32, #tpu.memory_space<smem>>
    %get3A_91 = arith.constant 3 : index
    %get3A_92 = memref.load %arg4[%get3A_91] : memref<4xf32, #tpu.memory_space<smem>>
    %log1p3A = math.log1p %min3A_52 : vector<128x200xf32>
    %mul3A = arith.constant 0.999994993 : f32
    %mul3A_93 = arith.mulf %mul3A, %get3A_86 : f32
    %mul3A_94 = vector.broadcast %mul3A_93 : f32 to vector<128x200xf32>
    %mul3A_95 = arith.mulf %log1p3A, %mul3A_94 : vector<128x200xf32>
    %add3A_96 = vector.broadcast %get3A_90 : f32 to vector<128x200xf32>
    %add3A_97 = arith.addf %mul3A_95, %add3A_96 : vector<128x200xf32>
    %jit3A_98 = arith.constant 0.000000e+00 : f32
    %jit3A_99 = arith.constant 3.000000e+02 : f32
    %max3A_100 = vector.broadcast %jit3A_98 : f32 to vector<128x200xf32>
    %max3A_101 = arith.maximumf %max3A_100, %get3A_69 : vector<128x200xf32>
    %min3A_102 = vector.broadcast %jit3A_99 : f32 to vector<128x200xf32>
    %min3A_103 = arith.minimumf %min3A_102, %max3A_101 : vector<128x200xf32>
    %mul3A_104 = arith.constant 0.999994993 : f32
    %mul3A_105 = arith.mulf %mul3A_104, %get3A_88 : f32
    %mul3A_106 = vector.broadcast %mul3A_105 : f32 to vector<128x200xf32>
    %mul3A_107 = arith.mulf %min3A_103, %mul3A_106 : vector<128x200xf32>
    %add3A_108 = vector.broadcast %get3A_92 : f32 to vector<128x200xf32>
    %add3A_109 = arith.addf %mul3A_107, %add3A_108 : vector<128x200xf32>
    %get3A_110 = arith.constant 0 : index
    %get3A_111 = arith.constant 0 : index
    %get3A_112 = vector.load %arg1[%get3A_110, %get3A_111] : memref<128x200xi32, #tpu.memory_space<vmem>>, vector<128x200xi32>
    %eq3A = arith.constant 0 : i32
    %eq3A_113 = vector.broadcast %eq3A : i32 to vector<128x200xi32>
    %eq3A_114 = arith.cmpi eq, %get3A_112, %eq3A_113 : vector<128x200xi32>
    %convert_element_type3A_115 = arith.extui %eq3A_114 : vector<128x200xi1> to vector<128x200xi32>
    %convert_element_type3A_116 = arith.sitofp %convert_element_type3A_115 : vector<128x200xi32> to vector<128x200xf32>
    %eq3A_117 = arith.constant 1 : i32
    %eq3A_118 = vector.broadcast %eq3A_117 : i32 to vector<128x200xi32>
    %eq3A_119 = arith.cmpi eq, %get3A_112, %eq3A_118 : vector<128x200xi32>
    %convert_element_type3A_120 = arith.extui %eq3A_119 : vector<128x200xi1> to vector<128x200xi32>
    %convert_element_type3A_121 = arith.sitofp %convert_element_type3A_120 : vector<128x200xi32> to vector<128x200xf32>
    %eq3A_122 = arith.constant 2 : i32
    %eq3A_123 = vector.broadcast %eq3A_122 : i32 to vector<128x200xi32>
    %eq3A_124 = arith.cmpi eq, %get3A_112, %eq3A_123 : vector<128x200xi32>
    %convert_element_type3A_125 = arith.extui %eq3A_124 : vector<128x200xi1> to vector<128x200xi32>
    %convert_element_type3A_126 = arith.sitofp %convert_element_type3A_125 : vector<128x200xi32> to vector<128x200xf32>
    %eq3A_127 = arith.constant 3 : i32
    %eq3A_128 = vector.broadcast %eq3A_127 : i32 to vector<128x200xi32>
    %eq3A_129 = arith.cmpi eq, %get3A_112, %eq3A_128 : vector<128x200xi32>
    %convert_element_type3A_130 = arith.extui %eq3A_129 : vector<128x200xi1> to vector<128x200xi32>
    %convert_element_type3A_131 = arith.sitofp %convert_element_type3A_130 : vector<128x200xi32> to vector<128x200xf32>
    %broadcast_in_dim3A_132 = arith.constant 1.000000e+00 : f32
    %broadcast_in_dim3A_133 = vector.broadcast %broadcast_in_dim3A_132 : f32 to vector<128x200xf32>
    %broadcast_in_dim3A_134 = arith.constant 0.000000e+00 : f32
    %broadcast_in_dim3A_135 = vector.broadcast %broadcast_in_dim3A_134 : f32 to vector<128x200xf32>
    %stack3A = vector.shape_cast %convert_element_type3A_116 : vector<128x200xf32> to vector<128x1x200xf32>
    %stack3A_136 = vector.shape_cast %convert_element_type3A_121 : vector<128x200xf32> to vector<128x1x200xf32>
    %stack3A_137 = vector.shape_cast %convert_element_type3A_126 : vector<128x200xf32> to vector<128x1x200xf32>
    %stack3A_138 = vector.shape_cast %convert_element_type3A_131 : vector<128x200xf32> to vector<128x1x200xf32>
    %stack3A_139 = vector.shape_cast %add3A_97 : vector<128x200xf32> to vector<128x1x200xf32>
    %stack3A_140 = vector.shape_cast %add3A_109 : vector<128x200xf32> to vector<128x1x200xf32>
    %stack3A_141 = vector.shape_cast %broadcast_in_dim3A_133 : vector<128x200xf32> to vector<128x1x200xf32>
    %stack3A_142 = vector.shape_cast %broadcast_in_dim3A_135 : vector<128x200xf32> to vector<128x1x200xf32>
    %stack3A_143 = tpu.concatenate %stack3A, %stack3A_136, %stack3A_137, %stack3A_138, %stack3A_139, %stack3A_140, %stack3A_141, %stack3A_142 in 1 : vector<128x1x200xf32>, vector<128x1x200xf32>, vector<128x1x200xf32>, vector<128x1x200xf32>, vector<128x1x200xf32>, vector<128x1x200xf32>, vector<128x1x200xf32>, vector<128x1x200xf32> -> vector<128x8x200xf32>
    %transpose3A = tpu.transpose %stack3A_143, [0, 2, 1] : vector<128x8x200xf32> -> vector<128x200x8xf32>
    %swap3A_144 = arith.constant 0 : index
    %swap3A_145 = arith.constant 0 : index
    %swap3A_146 = arith.constant 0 : index
    %swap3A_147 = vector.load %arg5[%swap3A_144, %swap3A_145, %swap3A_146] : memref<128x200x8xf32, #tpu.memory_space<vmem>>, vector<128x200x8xf32>
    tpu.vector_store %arg5[%swap3A_144, %swap3A_145, %swap3A_146], %transpose3A {strides = array<i32>} : memref<128x200x8xf32, #tpu.memory_space<vmem>>, vector<128x200x8xf32>,
    return
  }
  func.func @transform_0(%arg0: i32) -> (i32, i32) {
    %c0_i32 = arith.constant 0 : i32
    %c0_i32_0 = arith.constant 0 : i32
    return %arg0, %c0_i32 : i32, i32
  }
  func.func @transform_1(%arg0: i32) -> (i32, i32) {
    %c0_i32 = arith.constant 0 : i32
    %c0_i32_0 = arith.constant 0 : i32
    return %arg0, %c0_i32 : i32, i32
  }
  func.func @transform_2(%arg0: i32) -> (i32, i32) {
    %c0_i32 = arith.constant 0 : i32
    %c0_i32_0 = arith.constant 0 : i32
    return %arg0, %c0_i32 : i32, i32
  }
  func.func @transform_3(%arg0: i32) -> i32 {
    %c0_i32 = arith.constant 0 : i32
    %c0_i32_0 = arith.constant 0 : i32
    return %c0_i32 : i32
  }
  func.func @transform_4(%arg0: i32) -> (i32, i32, i32) {
    %c0_i32 = arith.constant 0 : i32
    %c0_i32_0 = arith.constant 0 : i32
    %c0_i32_1 = arith.constant 0 : i32
    return %arg0, %c0_i32, %c0_i32_0 : i32, i32, i32
  }
  func.func @transform_5(%arg0: i32) -> (i32, i32) {
    %c0_i32 = arith.constant 0 : i32
    %c0_i32_0 = arith.constant 0 : i32
    return %arg0, %c0_i32 : i32, i32
  }
  func.func @transform_6(%arg0: i32) -> (i32, i32) {
    %c0_i32 = arith.constant 0 : i32
    %c0_i32_0 = arith.constant 0 : i32
    return %arg0, %c0_i32 : i32, i32
  }
}

module attributes {stable_mosaic.version = 14 : i64} {
  func.func @_emb_kernel(%arg0: i32, %arg1: memref<2048x8xf32, #tpu.memory_space<vmem>>, %arg2: memref<2048x64xf32, #tpu.memory_space<vmem>>, %arg3: memref<2048x64xf32, #tpu.memory_space<vmem>>, %arg4: memref<4x16xf32, #tpu.memory_space<vmem>>, %arg5: memref<2x64xf32, #tpu.memory_space<vmem>>, %arg6: memref<1x64xf32, #tpu.memory_space<vmem>>, %arg7: memref<208x256xf32, #tpu.memory_space<vmem>>, %arg8: memref<1x256xf32, #tpu.memory_space<vmem>>, %arg9: memref<1x256xf32, #tpu.memory_space<vmem>>, %arg10: memref<1x256xf32, #tpu.memory_space<vmem>>, %arg11: memref<2048x256xf32, #tpu.memory_space<vmem>>, %arg12: memref<8x256xf32, #tpu.memory_space<vmem>>, %arg13: memref<256x256xf32, #tpu.memory_space<vmem>>) attributes {dimension_semantics = [#tpu.dimension_semantics<arbitrary>], iteration_bounds = array<i64: 100>, scalar_prefetch = 0 : i64, scratch_operands = 2 : i64, tpu.core_type = #tpu.core_type<tc>, window_params = [{transform_indices = @transform_0, window_bounds = array<i64: 2048, 8>}, {transform_indices = @transform_1, window_bounds = array<i64: 2048, 64>}, {transform_indices = @transform_2, window_bounds = array<i64: 2048, 64>}, {pipeline_mode = #tpu.pipeline_mode<synchronous>, transform_indices = @transform_3, window_bounds = array<i64: 4, 16>}, {pipeline_mode = #tpu.pipeline_mode<synchronous>, transform_indices = @transform_4, window_bounds = array<i64: 2, 64>}, {pipeline_mode = #tpu.pipeline_mode<synchronous>, transform_indices = @transform_5, window_bounds = array<i64: 1, 64>}, {pipeline_mode = #tpu.pipeline_mode<synchronous>, transform_indices = @transform_6, window_bounds = array<i64: 208, 256>}, {pipeline_mode = #tpu.pipeline_mode<synchronous>, transform_indices = @transform_7, window_bounds = array<i64: 1, 256>}, {pipeline_mode = #tpu.pipeline_mode<synchronous>, transform_indices = @transform_8, window_bounds = array<i64: 1, 256>}, {pipeline_mode = #tpu.pipeline_mode<synchronous>, transform_indices = @transform_9, window_bounds = array<i64: 1, 256>}, {transform_indices = @transform_10, window_bounds = array<i64: 2048, 256>}]} {
    %eq3A = arith.constant 0 : i32
    %eq3A_0 = arith.cmpi eq, %arg0, %eq3A : i32
    %convert_element_type3A = arith.extui %eq3A_0 : i1 to i32
    %cond3A = arith.constant 0 : i32
    %cond3A_1 = arith.cmpi ne, %convert_element_type3A, %cond3A : i32
    scf.if %cond3A_1 {
      %get3A_49 = arith.constant 0 : index
      %get3A_50 = arith.constant 0 : index
      %get3A_51 = vector.load %arg7[%get3A_49, %get3A_50] : memref<208x256xf32, #tpu.memory_space<vmem>>, vector<208x256xf32>
      %get3A_52 = arith.constant 0 : index
      %get3A_53 = arith.constant 0 : index
      %get3A_54 = vector.load %arg4[%get3A_52, %get3A_53] : memref<4x16xf32, #tpu.memory_space<vmem>>, vector<4x16xf32>
      %slice3A_55 = vector.extract_strided_slice %get3A_51 {offsets = [0, 0], sizes = [16, 256], strides = [1, 1]} : vector<208x256xf32> to vector<16x256xf32>
      %dot_general3A_56 = arith.constant dense<0.000000e+00> : vector<4x256xf32>
      %dot_general3A_57 = tpu.matmul %get3A_54, %slice3A_55, %dot_general3A_56 {dimension_numbers = #tpu.dot_dimension_numbers<[1], [0], [0], [1], [0, 0, 1, 1], [], []>, transpose_lhs_hint = false} : vector<4x16xf32>, vector<16x256xf32>, vector<4x256xf32> -> vector<4x256xf32>
      %slice3A_58 = vector.extract_strided_slice %get3A_51 {offsets = [16, 0], sizes = [64, 256], strides = [1, 1]} : vector<208x256xf32> to vector<64x256xf32>
      %get3A_59 = arith.constant 0 : index
      %get3A_60 = arith.constant 0 : index
      %get3A_61 = vector.load %arg5[%get3A_59, %get3A_60] : memref<2x64xf32, #tpu.memory_space<vmem>>, vector<2x64xf32>
      %dot_general3A_62 = arith.constant dense<0.000000e+00> : vector<2x256xf32>
      %dot_general3A_63 = tpu.matmul %get3A_61, %slice3A_58, %dot_general3A_62 {dimension_numbers = #tpu.dot_dimension_numbers<[1], [0], [0], [1], [0, 0, 1, 1], [], []>, transpose_lhs_hint = false} : vector<2x64xf32>, vector<64x256xf32>, vector<2x256xf32> -> vector<2x256xf32>
      %get3A_64 = arith.constant 0 : index
      %get3A_65 = arith.constant 0 : index
      %get3A_66 = vector.load %arg8[%get3A_64, %get3A_65] : memref<1x256xf32, #tpu.memory_space<vmem>>, vector<1x256xf32>
      %get3A_67 = arith.constant 0 : index
      %get3A_68 = arith.constant 0 : index
      %get3A_69 = vector.load %arg6[%get3A_67, %get3A_68] : memref<1x64xf32, #tpu.memory_space<vmem>>, vector<1x64xf32>
      %dot_general3A_70 = arith.constant dense<0.000000e+00> : vector<1x256xf32>
      %dot_general3A_71 = tpu.matmul %get3A_69, %slice3A_58, %dot_general3A_70 {dimension_numbers = #tpu.dot_dimension_numbers<[1], [0], [0], [1], [0, 0, 1, 1], [], []>, transpose_lhs_hint = false} : vector<1x64xf32>, vector<64x256xf32>, vector<1x256xf32> -> vector<1x256xf32>
      %add3A_72 = arith.addf %get3A_66, %dot_general3A_71 : vector<1x256xf32>
      %broadcast_in_dim3A = arith.constant 0.000000e+00 : f32
      %broadcast_in_dim3A_73 = vector.broadcast %broadcast_in_dim3A : f32 to vector<1x256xf32>
      %concatenate3A = tpu.concatenate %dot_general3A_57, %dot_general3A_63, %add3A_72, %broadcast_in_dim3A_73 in 0 : vector<4x256xf32>, vector<2x256xf32>, vector<1x256xf32>, vector<1x256xf32> -> vector<8x256xf32>
      %swap3A_74 = arith.constant 0 : index
      %swap3A_75 = arith.constant 0 : index
      %swap3A_76 = vector.load %arg12[%swap3A_74, %swap3A_75] : memref<8x256xf32, #tpu.memory_space<vmem>>, vector<8x256xf32>
      tpu.vector_store %arg12[%swap3A_74, %swap3A_75], %concatenate3A {strides = array<i32>} : memref<8x256xf32, #tpu.memory_space<vmem>>, vector<8x256xf32>,
      %broadcast_in_dim3A_77 = arith.constant 3.906250e-03 : f32
      %broadcast_in_dim3A_78 = vector.broadcast %broadcast_in_dim3A_77 : f32 to vector<256x256xf32>
      %swap3A_79 = arith.constant 0 : index
      %swap3A_80 = arith.constant 0 : index
      %swap3A_81 = vector.load %arg13[%swap3A_79, %swap3A_80] : memref<256x256xf32, #tpu.memory_space<vmem>>, vector<256x256xf32>
      tpu.vector_store %arg13[%swap3A_79, %swap3A_80], %broadcast_in_dim3A_78 {strides = array<i32>} : memref<256x256xf32, #tpu.memory_space<vmem>>, vector<256x256xf32>,
    } else {
    }
    %get3A = arith.constant 0 : index
    %get3A_2 = arith.constant 0 : index
    %get3A_3 = vector.load %arg7[%get3A, %get3A_2] : memref<208x256xf32, #tpu.memory_space<vmem>>, vector<208x256xf32>
    %get3A_4 = arith.constant 0 : index
    %get3A_5 = arith.constant 0 : index
    %get3A_6 = vector.load %arg1[%get3A_4, %get3A_5] : memref<2048x8xf32, #tpu.memory_space<vmem>>, vector<2048x8xf32>
    %get3A_7 = arith.constant 0 : index
    %get3A_8 = arith.constant 0 : index
    %get3A_9 = vector.load %arg12[%get3A_7, %get3A_8] : memref<8x256xf32, #tpu.memory_space<vmem>>, vector<8x256xf32>
    %dot_general3A = arith.constant dense<0.000000e+00> : vector<2048x256xf32>
    %dot_general3A_10 = tpu.matmul %get3A_6, %get3A_9, %dot_general3A {dimension_numbers = #tpu.dot_dimension_numbers<[1], [0], [0], [1], [0, 0, 1, 1], [], []>, transpose_lhs_hint = false} : vector<2048x8xf32>, vector<8x256xf32>, vector<2048x256xf32> -> vector<2048x256xf32>
    %get3A_11 = arith.constant 0 : index
    %get3A_12 = arith.constant 0 : index
    %get3A_13 = vector.load %arg2[%get3A_11, %get3A_12] : memref<2048x64xf32, #tpu.memory_space<vmem>>, vector<2048x64xf32>
    %slice3A = vector.extract_strided_slice %get3A_3 {offsets = [80, 0], sizes = [64, 256], strides = [1, 1]} : vector<208x256xf32> to vector<64x256xf32>
    %dot_general3A_14 = arith.constant dense<0.000000e+00> : vector<2048x256xf32>
    %dot_general3A_15 = tpu.matmul %get3A_13, %slice3A, %dot_general3A_14 {dimension_numbers = #tpu.dot_dimension_numbers<[1], [0], [0], [1], [0, 0, 1, 1], [], []>, transpose_lhs_hint = false} : vector<2048x64xf32>, vector<64x256xf32>, vector<2048x256xf32> -> vector<2048x256xf32>
    %add3A = arith.addf %dot_general3A_10, %dot_general3A_15 : vector<2048x256xf32>
    %get3A_16 = arith.constant 0 : index
    %get3A_17 = arith.constant 0 : index
    %get3A_18 = vector.load %arg3[%get3A_16, %get3A_17] : memref<2048x64xf32, #tpu.memory_space<vmem>>, vector<2048x64xf32>
    %slice3A_19 = vector.extract_strided_slice %get3A_3 {offsets = [144, 0], sizes = [64, 256], strides = [1, 1]} : vector<208x256xf32> to vector<64x256xf32>
    %dot_general3A_20 = arith.constant dense<0.000000e+00> : vector<2048x256xf32>
    %dot_general3A_21 = tpu.matmul %get3A_18, %slice3A_19, %dot_general3A_20 {dimension_numbers = #tpu.dot_dimension_numbers<[1], [0], [0], [1], [0, 0, 1, 1], [], []>, transpose_lhs_hint = false} : vector<2048x64xf32>, vector<64x256xf32>, vector<2048x256xf32> -> vector<2048x256xf32>
    %add3A_22 = arith.addf %add3A, %dot_general3A_21 : vector<2048x256xf32>
    %get3A_23 = arith.constant 0 : index
    %get3A_24 = arith.constant 0 : index
    %get3A_25 = vector.load %arg13[%get3A_23, %get3A_24] : memref<256x256xf32, #tpu.memory_space<vmem>>, vector<256x256xf32>
    %dot_general3A_26 = arith.constant dense<0.000000e+00> : vector<2048x256xf32>
    %dot_general3A_27 = tpu.matmul %add3A_22, %get3A_25, %dot_general3A_26 {dimension_numbers = #tpu.dot_dimension_numbers<[1], [0], [0], [1], [0, 0, 1, 1], [], []>, transpose_lhs_hint = false} : vector<2048x256xf32>, vector<256x256xf32>, vector<2048x256xf32> -> vector<2048x256xf32>
    %sub3A = arith.subf %add3A_22, %dot_general3A_27 : vector<2048x256xf32>
    %mul3A = arith.mulf %sub3A, %sub3A : vector<2048x256xf32>
    %get3A_28 = arith.constant 0 : index
    %get3A_29 = arith.constant 0 : index
    %get3A_30 = vector.load %arg13[%get3A_28, %get3A_29] : memref<256x256xf32, #tpu.memory_space<vmem>>, vector<256x256xf32>
    %dot_general3A_31 = arith.constant dense<0.000000e+00> : vector<2048x256xf32>
    %dot_general3A_32 = tpu.matmul %mul3A, %get3A_30, %dot_general3A_31 {dimension_numbers = #tpu.dot_dimension_numbers<[1], [0], [0], [1], [0, 0, 1, 1], [], []>, transpose_lhs_hint = false} : vector<2048x256xf32>, vector<256x256xf32>, vector<2048x256xf32> -> vector<2048x256xf32>
    %add3A_33 = arith.constant 9.99999996E-13 : f32
    %add3A_34 = vector.broadcast %add3A_33 : f32 to vector<2048x256xf32>
    %add3A_35 = arith.addf %dot_general3A_32, %add3A_34 : vector<2048x256xf32>
    %rsqrt3A = math.rsqrt %add3A_35 : vector<2048x256xf32>
    %mul3A_36 = arith.mulf %sub3A, %rsqrt3A : vector<2048x256xf32>
    %get3A_37 = arith.constant 0 : index
    %get3A_38 = arith.constant 0 : index
    %get3A_39 = vector.load %arg9[%get3A_37, %get3A_38] : memref<1x256xf32, #tpu.memory_space<vmem>>, vector<1x256xf32>
    %mul3A_40 = vector.broadcast %get3A_39 : vector<1x256xf32> to vector<2048x256xf32>
    %mul3A_41 = arith.mulf %mul3A_36, %mul3A_40 : vector<2048x256xf32>
    %get3A_42 = arith.constant 0 : index
    %get3A_43 = arith.constant 0 : index
    %get3A_44 = vector.load %arg10[%get3A_42, %get3A_43] : memref<1x256xf32, #tpu.memory_space<vmem>>, vector<1x256xf32>
    %add3A_45 = vector.broadcast %get3A_44 : vector<1x256xf32> to vector<2048x256xf32>
    %add3A_46 = arith.addf %mul3A_41, %add3A_45 : vector<2048x256xf32>
    %swap3A = arith.constant 0 : index
    %swap3A_47 = arith.constant 0 : index
    %swap3A_48 = vector.load %arg11[%swap3A, %swap3A_47] : memref<2048x256xf32, #tpu.memory_space<vmem>>, vector<2048x256xf32>
    tpu.vector_store %arg11[%swap3A, %swap3A_47], %add3A_46 {strides = array<i32>} : memref<2048x256xf32, #tpu.memory_space<vmem>>, vector<2048x256xf32>,
    return
  }
  func.func @transform_0(%arg0: i32) -> (i32, i32) {
    %c0_i32 = arith.constant 0 : i32
    %c0_i32_0 = arith.constant 0 : i32
    return %arg0, %c0_i32 : i32, i32
  }
  func.func @transform_1(%arg0: i32) -> (i32, i32) {
    %c0_i32 = arith.constant 0 : i32
    %c0_i32_0 = arith.constant 0 : i32
    return %arg0, %c0_i32 : i32, i32
  }
  func.func @transform_2(%arg0: i32) -> (i32, i32) {
    %c0_i32 = arith.constant 0 : i32
    %c0_i32_0 = arith.constant 0 : i32
    return %arg0, %c0_i32 : i32, i32
  }
  func.func @transform_3(%arg0: i32) -> (i32, i32) {
    %c0_i32 = arith.constant 0 : i32
    %c0_i32_0 = arith.constant 0 : i32
    %c0_i32_1 = arith.constant 0 : i32
    return %c0_i32, %c0_i32_0 : i32, i32
  }
  func.func @transform_4(%arg0: i32) -> (i32, i32) {
    %c0_i32 = arith.constant 0 : i32
    %c0_i32_0 = arith.constant 0 : i32
    %c0_i32_1 = arith.constant 0 : i32
    return %c0_i32, %c0_i32_0 : i32, i32
  }
  func.func @transform_5(%arg0: i32) -> (i32, i32) {
    %c0_i32 = arith.constant 0 : i32
    %c0_i32_0 = arith.constant 0 : i32
    %c0_i32_1 = arith.constant 0 : i32
    return %c0_i32, %c0_i32_0 : i32, i32
  }
  func.func @transform_6(%arg0: i32) -> (i32, i32) {
    %c0_i32 = arith.constant 0 : i32
    %c0_i32_0 = arith.constant 0 : i32
    %c0_i32_1 = arith.constant 0 : i32
    return %c0_i32, %c0_i32_0 : i32, i32
  }
  func.func @transform_7(%arg0: i32) -> (i32, i32) {
    %c0_i32 = arith.constant 0 : i32
    %c0_i32_0 = arith.constant 0 : i32
    %c0_i32_1 = arith.constant 0 : i32
    return %c0_i32, %c0_i32_0 : i32, i32
  }
  func.func @transform_8(%arg0: i32) -> (i32, i32) {
    %c0_i32 = arith.constant 0 : i32
    %c0_i32_0 = arith.constant 0 : i32
    %c0_i32_1 = arith.constant 0 : i32
    return %c0_i32, %c0_i32_0 : i32, i32
  }
  func.func @transform_9(%arg0: i32) -> (i32, i32) {
    %c0_i32 = arith.constant 0 : i32
    %c0_i32_0 = arith.constant 0 : i32
    %c0_i32_1 = arith.constant 0 : i32
    return %c0_i32, %c0_i32_0 : i32, i32
  }
  func.func @transform_10(%arg0: i32) -> (i32, i32) {
    %c0_i32 = arith.constant 0 : i32
    %c0_i32_0 = arith.constant 0 : i32
    return %arg0, %c0_i32 : i32, i32
  }
}

</mosaic_0001>

<sc_bundles>
// kernel: kernel.5.cloned.1.call-start
scs
__scs_entry_jumppad:
0x0: {  	(pc) =	sbr.rel $0x88, $3  }
0x1: {  	(tag) =	ssettag $0x0;
	lr =	simm.s32 $0x1  }
0x2: {  	[smem:$0x3F93] =	sst lr;
	_ =	strace $0xD0000000  }
0x3: {  	_ = 	snop  }
0x4: {  	_ = 	snop  }
0x5: {  	_ = 	snop  }
0x6: {  	_ = 	snop  }
0x7: {  	_ = 	snop  }
__scs_overlays_trampoline_lowered:
0x8: {  	[smem:$0x3FA2] =	sst s0  }
0x9: {  	[smem:$0x3FA3] =	sst s1  }
0xa: {  	[smem:$0x3FA4] =	sst s2  }
0xb: {  	[smem:$0x3FA5] =	sst s3  }
0xc: {  	[smem:$0x3FA6] =	sst s4  }
0xd: {  	[smem:$0x3FA7] =	sst s5  }
0xe: {  	[smem:$0x3FA8] =	sst s6  }
0xf: {  	[smem:$0x3FA9] =	sst s7  }
0x10: {  	[smem:$0x3FAA] =	sst s8  }
0x11: {  	[smem:$0x3FAB] =	sst s9;
	s0 =	simm.s32 @!p0 $0x0  }
0x12: {  	s1 =	sld [smem:$0x3F91];
	s0 =	simm.s32 @p0 $0x1  }
0x13: {  	[smem:$0x3FAC] =	sst s0;
	s0 =	simm.s32 @!p1 $0x0  }
0x14: {  	s2 =	sld [smem:$0x3F90];
	s0 =	simm.s32 @p1 $0x1  }
0x15: {  	[smem:$0x3FAD] =	sst s0;
	s0 =	simm.s32 @!p2 $0x0  }
0x16: {  	s3 =	sld [smem:$0x3FDB];
	s0 =	simm.s32 @p2 $0x1  }
0x17: {  	s4 =	simm.s32 $0x1BF5;
	[smem:$0x3FAF] =	sst s0  }
0x18: {  	s0 =	sld [smem:$0x3F92];
	_ =	swait.ge [sflag:s4], $0x0  }
0x19: {  	s7 =	sld [smem:$0x3F93]  }
0x1a: {  	s8 =	sadd.s32 $0xFFFFE003, lr  }
0x1b: {  	s9 =	sadd.s32 $0xFFFFFEF7, lr;
	s5 =	simm.s32 $0xFFFFFFFF;
	p2 =	slt.u32 s8, $0xFFFFF086  }
0x1c: {  	p1 =	slt.u32 s9, $0xF7A;
	s5 =	simm.s32 @!p2 $0x0  }
0x1d: {  	s5 =	simm.s32 @p1 $0x1;
	p0 =	seq.s32 s7, s2  }
0x1e: {  	s7 =	smul.u32 @!p0 $0xF7A, s2;
	p2 =	seq.s32 @!p0 s5, $0x0  }
0x1f: {  	s9 =	smul.u32 $0xF7A, s1;
	s8 =	simm.s32 @!p0 $0x1BF5;
	p2 =	por !p2, p0  }
0x20: {  	[sflag:s8] =	ssyncset.s32 @!p0 $0xFFFFF086;
	s6 =	sadd.s32 @!p0 s3, s7;
	s7 =	simm.s32 @!p0 $0x108  }
0x21: {  	s3 =	sadd.s32 s3, s9;
	s6 =	sadd.s32 @!p0 $0x88, s6;
	s7 =	simm.s32 @p2 $0x1082  }
0x22: {  	[simem:s7], [sflag:s8] =	dma.local @!p0 [hbm:s6], $0xF7A  }
0x23: {  	s9 =	sor.u32 $0xD0000000, s2;
	s6 =	simm.s32 $0x108;
	_ =	swait.ge @!p0 [sflag:s8], $0x0  }
0x24: {  	s3 =	sadd.s32 $0x88, s3;
	s6 =	simm.s32 @!p1 $0x1082;
	[sflag:s4] =	ssyncset.s32 $0xFFFFF086  }
0x25: {  	[simem:s6], [sflag:s4] =	dma.local [hbm:s3], $0xF7A  }
0x26: {  	[smem:$0x3F93] =	sst s1;
	(tag) =	ssettag s2;
	_ =	strace s9  }
0x27: {  	s1 =	sld [smem:$0x3FA3]  }
0x28: {  	s2 =	sld [smem:$0x3FA4]  }
0x29: {  	s4 =	sld [smem:$0x3FA6]  }
0x2a: {  	p0 =	seq.s32 s5, $0x0;
	s5 =	sld [smem:$0x3FA7]  }
0x2b: {  	s6 =	sld [smem:$0x3FA8]  }
0x2c: {  	s7 =	sld [smem:$0x3FA9]  }
0x2d: {  	s3 =	simm.s32 $0x108;
	s8 =	sld [smem:$0x3FAA]  }
0x2e: {  	s3 =	simm.s32 @!p0 $0x1082;
	s9 =	sld [smem:$0x3FAB]  }
0x2f: {  	lr =	sadd.s32 s0, s3;
	s0 =	sld [smem:$0x3FA2]  }
0x30: {  	s3 =	sld [smem:$0x3FA5]  }
0x31: {  	[smem:$0x3FAE] =	sst s10  }
0x32: {  	s10 =	sld [smem:$0x3FAC];
	_ =	sdelay $0x3  }
0x33: {  	p0 =	seq.s32 s10, $0x1;
	s10 =	sld [smem:$0x3FAE];
	_ =	sdelay $0x3  }
0x34: {  	[smem:$0x3FAE] =	sst s10  }
0x35: {  	s10 =	sld [smem:$0x3FAD];
	_ =	sdelay $0x3  }
0x36: {  	p1 =	seq.s32 s10, $0x1;
	s10 =	sld [smem:$0x3FAE];
	_ =	sdelay $0x3  }
0x37: {  	[smem:$0x3FAE] =	sst s10  }
0x38: {  	s10 =	sld [smem:$0x3FAF]  }
0x39: {  	_ = 	snop;
	(pc) =	sbr.ind lr, $3  }
0x3a: {  	_ = 	snop  }
0x3b: {  	_ = 	snop  }
0x3c: {  	p2 =	seq.s32 s10, $0x1;
	s10 =	sld [smem:$0x3FAE]  }
0x3d: {  	_ =	shalt  }
0x3e: {  	_ =	shalt  }
0x3f: {  	_ =	shalt  }
0x40: {  	_ =	shalt  }
0x41: {  	_ =	shalt  }
0x42: {  	_ =	shalt  }
0x43: {  	_ =	shalt  }
0x44: {  	_ =	shalt  }
0x45: {  	_ =	shalt  }
0x46: {  	_ =	shalt  }
0x47: {  	_ =	shalt  }
0x48: {  	_ =	shalt  }
0x49: {  	_ =	shalt  }
0x4a: {  	_ =	shalt  }
0x4b: {  	_ =	shalt  }
0x4c: {  	_ =	shalt  }
0x4d: {  	_ =	shalt  }
0x4e: {  	_ =	shalt  }
0x4f: {  	_ =	shalt  }
0x50: {  	_ =	shalt  }
0x51: {  	_ =	shalt  }
0x52: {  	_ =	shalt  }
0x53: {  	_ =	shalt  }
0x54: {  	_ =	shalt  }
0x55: {  	_ =	shalt  }
0x56: {  	_ =	shalt  }
0x57: {  	_ =	shalt  }
0x58: {  	_ =	shalt  }
0x59: {  	_ =	shalt  }
0x5a: {  	_ =	shalt  }
0x5b: {  	_ =	shalt  }
0x5c: {  	_ =	shalt  }
0x5d: {  	_ =	shalt  }
0x5e: {  	_ =	shalt  }
0x5f: {  	_ =	shalt  }
0x60: {  	_ =	shalt  }
0x61: {  	_ =	shalt  }
0x62: {  	_ =	shalt  }
0x63: {  	_ =	shalt  }
0x64: {  	_ =	shalt  }
0x65: {  	_ =	shalt  }
0x66: {  	_ =	shalt  }
0x67: {  	_ =	shalt  }
0x68: {  	_ =	shalt  }
0x69: {  	_ =	shalt  }
0x6a: {  	_ =	shalt  }
0x6b: {  	_ =	shalt  }
0x6c: {  	_ =	shalt  }
0x6d: {  	_ =	shalt  }
0x6e: {  	_ =	shalt  }
0x6f: {  	_ =	shalt  }
0x70: {  	_ =	shalt  }
0x71: {  	_ =	shalt  }
0x72: {  	_ =	shalt  }
0x73: {  	_ =	shalt  }
0x74: {  	_ =	shalt  }
0x75: {  	_ =	shalt  }
0x76: {  	_ =	shalt  }
0x77: {  	_ =	shalt  }
0x78: {  	_ =	shalt  }
0x79: {  	_ =	shalt  }
0x7a: {  	_ =	shalt  }
0x7b: {  	_ =	shalt  }
0x7c: {  	_ =	shalt  }
0x7d: {  	_ =	shalt  }
0x7e: {  	_ =	shalt  }
0x7f: {  	_ =	shalt  }
0x80: {  	_ =	shalt  }
0x81: {  	_ =	shalt  }
0x82: {  	_ =	shalt  }
0x83: {  	_ =	shalt  }
0x84: {  	_ =	shalt  }
0x85: {  	_ =	shalt  }
0x86: {  	_ =	shalt  }
0x87: {  	_ =	shalt  }
.Lfunc_end0:
.L_simem_size_0:
called_computation_lowered:
.L_overlay_start_0:
0x88: {  	s2 =	sld [smem:$0x3FD9]  }
0x89: {  	s3 =	sld [smem:$0x3FFE];
	_ =	sdelay $0x1  }
0x8a: {  	s1 =	srdreg.scid  }
0x8b: {  	s0 =	sand.u32 $0x1, s1  }
0x8c: {  	s17 =	sshll.u32 s0, $0xA;
	s2 =	sadd.s32 s3, s2  }
0x8d: {  	s2 =	sadd.s32 s2, s17  }
0x8e: {  	[smem:$0x3FBA] =	sst s2  }
0x8f: {  	_ = 	snop  }
0x90: {  	s2 =	sld [smem:$0x3FD0];
	(tm) =	ssettm $0x1  }
0x91: {  	s18 =	sld [smem:$0x3FFB];
	_ =	sdelay $0x3  }
0x92: {  	_ =	strace s18  }
0x93: {  	s3 =	sld [smem:$0x3FFC];
	_ =	sdelay $0x3  }
0x94: {  	_ =	strace s3  }
0x95: {  	s3 =	sld [smem:$0x3FFD];
	_ =	sdelay $0x3  }
0x96: {  	_ =	strace s3  }
0x97: {  	_ =	strace $0x8FFFFFFF  }
0x98: {  	s19 =	sld [smem:$0x3FDB];
	_ =	sdelay $0x1  }
0x99: {  	s4 =	simm.s32 $_scs_section_size  }
0x9a: {  	s5 =	simm.s32 $_size__tile_overlayer_lowered;
	s6 =	simm.s32 $_tile_overlayer_lowered  }
0x9b: {  	s22 =	simm.s32 $0x1BFF;
	s21 =	sshll.u32 s6, $0x1;
	s3 =	sadd.s32 s4, s19  }
0x9c: {  	s7 =	simm.s32 $0x0;
	s20 =	sshll.u32 s5, $0x1;
	s5 =	sadd.s32 s21, s3  }
0x9d: {  	[timem:s7], [sflag:s22] =	dma.local [hbm:s5], s20  }
0x9e: {  	_ =	swait.ge [sflag:s22], s20  }
0x9f: {  	s4 =	ssub.s32 $0x0, s20;
	[sflag:s22] =	ssyncset.done $0x0  }
0xa0: {  	[sflag:s22] =	ssyncadd.s32 s4;
	_ =	sdelay $0x1  }
0xa1: {  	s23 =	simm.s32 $0x1B8B  }
0xa2: {  	_ =	swait.ge [sflag:s23], $0x1  }
0xa3: {  	[sflag:s23] =	ssyncset.done $0x0  }
0xa4: {  	s25 =	simm.s32 $0x1B8E;
	s24 =	sld [smem:$0x3FFE];
	[sflag:s23] =	ssyncadd.s32 $0xFFFFFFFF  }
0xa5: {  	s26 =	simm.s32 $execute0_lowered;
	[smem:$0x3FD2] =	sst s25  }
0xa6: {  	s5 =	sshll.u32 s26, $0x1;
	_ =	strace $0x80000046;
	[dreg:$0x1] =	wrdreg $0xFFFFFFFF  }
0xa7: {  	s28 =	simm.s32 $_size_execute0_lowered;
	s3 =	sadd.s32 s3, s5;
	[dreg:$0x0] =	wrdreg $0x0  }
0xa8: {  	s5 =	sshll.u32 s28, $0x1;
	[dreg:$0x2] =	wrdreg s3  }
0xa9: {  	[dreg:$0x3] =	wrdreg s5  }
0xaa: {  	[dreg:$0x4] =	wrdreg $0xC0  }
0xab: {  	_ =	task [dreg:s7], $0x5FFFF  }
0xac: {  	[dreg:$0x1] =	wrdreg $0xFFFFFFFF  }
0xad: {  	[dreg:$0x0] =	wrdreg $0x60  }
0xae: {  	[dreg:$0x2] =	wrdreg s24  }
0xaf: {  	[dreg:$0x3] =	wrdreg s2  }
0xb0: {  	[dreg:$0x4] =	wrdreg $0x9  }
0xb1: {  	_ =	task.clear_ibuf [dreg:s7], $0x5FFFF;
	_ =	strace $0x90000046  }
0xb2: {  	s29 =	simm.s32 $0x9;
	_ =	strace $0x80000048  }
0xb3: {  	_ =	swait.ge [sflag:s29], $0x1  }
0xb4: {  	[sflag:s29] =	ssyncadd.s32 $0xFFFFFFFF  }
0xb5: {  	_ =	strace $0x90000048  }
0xb6: {  	_ =	sfence  }
0xb7: {  	s30 =	sld [smem:$0x0];
	_ =	sdelay $0x2  }
0xb8: {  	s31 =	sshll.u32 s1, $0xD;
	s1 =	sshrl.u32 s1, $0x2  }
0xb9: {  	s3 =	sand.u32 $0x4000, s31;
	s1 =	sadd.s32 s1, s30  }
0xba: {  	s0 =	sor.u32 s3, s0;
	s1 =	sshll.u32 s1, $0x11  }
0xbb: {  	s0 =	sor.u32 s1, s0  }
0xbc: {  	s0 =	sadd.s32 $0x8F2B, s0  }
0xbd: {  	[sflag:s0] =	ssyncadd.remote.s32 $0x1  }
0xbe: {  	_ =	sfence.sel $0xFFFF  }
0xbf: {  	[dreg:$0x0] =	wrdreg $0xFFFFFFFF;
	(pc) =	sbr.abs _section_cstart, $3  }
0xc0: {  	[dreg:$0x1] =	wrdreg $0xFFFFFFFF  }
0xc1: {  	_ =	task.clear_ibuf [dreg:s7], $0x2FFFF;
	_ =	strace $0x9FFFFFFF  }
0xc2: {  	(tm) =	ssettm $0x7FFFFFFF  }
0xc3: {  	_ =	shalt  }
tec
execute0_lowered:
.L_overlay_start_1:
0x0: {  	(tag) =	ssettag $0x1  }
0x1: {  	s5 =	rddreg [dreg:$0x0]  }
0x2: {  	s6 =	rddreg [dreg:$0x1]  }
0x3: {  	s0 =	rddreg [dreg:$0x2]  }
0x4: {  	s3 =	srdreg.scid;
	s1 =	stileid.u32;
	s2 =	simm.s32 $0x0  }
0x5: {  	s12 =	simm.s32 $0x280;
	s13 =	simm.s32 $0xA500;
	s14 =	simm.s32 $0x1  }
0x6: {  	s15 =	simm.s32 $0x2;
	s7 =	sand.u32 $0x1, s3;
	s8 =	smul.u32 $0x3200, s1  }
0x7: {  	s16 =	simm.s32 $0x0;
	[smem:$0x7FF] =	sst s2;
	s9 =	smul.u32 $0x1900, s7  }
0x8: {  	s3 =	sadd.s32 $0x1800, s5;
	s4 =	sadd.s32 $0x1E00, s5;
	s29 =	smul.u32 $0x19000, s1  }
0x9: {  	_ =	strace $0x80000047;
	s10 =	ssub.s32 $0x2, s7;
	s8 =	sadd.s32 s9, s8  }
0xa: {  	s7 =	smul.u32 $0xC800, s7;
	s30 =	sshrl.u32 s10, $0x1;
	s8 =	sshrl.u32 s8, $0x3  }
0xb: {  	s9 =	sadd.s32 s29, s6;
	s11 =	sadd.s32 s8, s5;
	s5 =	sadd.s32 s29, s5  }
0xc: {  	s8 =	ssub.s32 s10, s30;
	s10 =	simm.s32 $0x3;
	s31 =	sadd.s32 s7, s5  }
0xd: {  	s5 =	smax.u32 s8, $0x1;
	s7 =	sadd.s32 s7, s9;
	s8 =	sadd.s32 $0x328C00, s11  }
0xe: {  	s9 =	sadd.s32 $0x322800, s11;
	s11 =	simm.s32 $0xA280;
	s6 =	sadd.s32 $0x32F000, s31  }
.LBB2_1:
0xf: {  	s17 =	sadd.s32 $0x0, s9  }
0x10: {  	[tilespmem:s2], [sflag:$0x3] =	stream.linear.gather [hbm4b:s17+s2], $0x280, $0x38;
	[tilespmem:$0x14500] =	vst v63  }
0x11: {  	_ =	swait.ge [sflag:s10], $0x280  }
0x12: {  	[sflag:s10] =	ssyncset.done $0x0  }
0x13: {  	s31 =	sadd.s32 $0x0, s8;
	[sflag:s10] =	ssyncadd.s32 $0xFFFFFD80  }
0x14: {  	[tilespmem:s11], [sflag:$0x3] =	stream.linear.gather [hbm4b:s31+s2], $0x280, $0x38;
	[tilespmem:$0x14500] =	vst v63  }
0x15: {  	_ =	swait.ge [sflag:s10], $0x280  }
0x16: {  	[sflag:s10] =	ssyncset.done $0x0  }
0x17: {  	[sflag:s10] =	ssyncadd.s32 $0xFFFFFD80  }
0x18: {  	[tilespmem:s12], [sflag:$0x1] =	stream.indirect.gather [hbm4b:s3+s12], $0x40, s2, s12, $0xb8;
	[tilespmem:$0x14500] =	vst v63  }
0x19: {  	_ = 	snop  }
0x1a: {  	[tilespmem:s13], [sflag:$0x2] =	stream.indirect.gather [hbm4b:s4+s12], $0x40, s11, s12, $0xb8;
	[tilespmem:$0x14500] =	vst v63  }
0x1b: {  	_ =	swait.ge [sflag:s14], $0xA000  }
0x1c: {  	[sflag:s14] =	ssyncset.done $0x0  }
0x1d: {  	[sflag:s14] =	ssyncadd.s32 $0xFFFF6000  }
0x1e: {  	_ =	swait.ge [sflag:s15], $0xA000  }
0x1f: {  	[sflag:s15] =	ssyncset.done $0x0  }
0x20: {  	[sflag:s15] =	ssyncadd.s32 $0xFFFF6000  }
0x21: {  	[hbm4b:s7+s2] =	stream.linear.scatter [tilespmem:s12], [sflag:$0x3], $0xA000, $0x38;
	[tilespmem:$0x14500] =	vst v63  }
0x22: {  	_ =	swait.ge [sflag:s10], $0xA000  }
0x23: {  	[sflag:s10] =	ssyncset.done $0x0  }
0x24: {  	[sflag:s10] =	ssyncadd.s32 $0xFFFF6000  }
0x25: {  	[hbm4b:s6+s2] =	stream.linear.scatter [tilespmem:s13], [sflag:$0x3], $0xA000, $0x38;
	[tilespmem:$0x14500] =	vst v63  }
0x26: {  	s19 =	simm.s32 $0x50;
	s20 =	simm.s32 $0xA0;
	_ =	swait.ge [sflag:s10], $0xA000  }
0x27: {  	s18 =	sadd.s32 $0x1400, s7;
	s17 =	sadd.s32 $0x1400, s6;
	[sflag:s10] =	ssyncset.done $0x0  }
.LBB2_2:
0x28: {  	s21 =	sadd.s32 s19, s9  }
0x29: {  	[sflag:s10] =	ssyncadd.s32 $0xFFFF6000;
	s22 =	smov.u32 s20;
	s23 =	sadd.s32 $0x50, s20  }
0x2a: {  	[tilespmem:s2], [sflag:$0x3] =	stream.linear.gather [hbm4b:s21+s2], $0x280, $0x38;
	[tilespmem:$0x14500] =	vst v63  }
0x2b: {  	p0 =	sne.s32 s20, $0x2D0;
	_ =	swait.ge [sflag:s10], $0x280  }
0x2c: {  	[sflag:s10] =	ssyncset.done $0x0  }
0x2d: {  	s20 =	sadd.s32 s19, s8;
	s19 =	smov.u32 s22;
	[sflag:s10] =	ssyncadd.s32 $0xFFFFFD80  }
0x2e: {  	[tilespmem:s11], [sflag:$0x3] =	stream.linear.gather [hbm4b:s20+s2], $0x280, $0x38;
	[tilespmem:$0x14500] =	vst v63  }
0x2f: {  	_ =	swait.ge [sflag:s10], $0x280  }
0x30: {  	[sflag:s10] =	ssyncset.done $0x0  }
0x31: {  	[sflag:s10] =	ssyncadd.s32 $0xFFFFFD80  }
0x32: {  	[tilespmem:s12], [sflag:$0x1] =	stream.indirect.gather [hbm4b:s3+s12], $0x40, s2, s12, $0xb8;
	[tilespmem:$0x14500] =	vst v63  }
0x33: {  	_ = 	snop  }
0x34: {  	[tilespmem:s13], [sflag:$0x2] =	stream.indirect.gather [hbm4b:s4+s12], $0x40, s11, s12, $0xb8;
	[tilespmem:$0x14500] =	vst v63  }
0x35: {  	_ =	swait.ge [sflag:s14], $0xA000  }
0x36: {  	[sflag:s14] =	ssyncset.done $0x0  }
0x37: {  	[sflag:s14] =	ssyncadd.s32 $0xFFFF6000  }
0x38: {  	_ =	swait.ge [sflag:s15], $0xA000  }
0x39: {  	[sflag:s15] =	ssyncset.done $0x0  }
0x3a: {  	[sflag:s15] =	ssyncadd.s32 $0xFFFF6000  }
0x3b: {  	[hbm4b:s18+s2] =	stream.linear.scatter [tilespmem:s12], [sflag:$0x3], $0xA000, $0x38;
	[tilespmem:$0x14500] =	vst v63  }
0x3c: {  	_ =	swait.ge [sflag:s10], $0xA000  }
.Ltmp0:
0x3d: {  	[sflag:s10] =	ssyncset.done $0x0;
	(pc) =	sbr.rel @p0 .LBB2_2-.Ltmp0, $4  }
0x3e: {  	[sflag:s10] =	ssyncadd.s32 $0xFFFF6000  }
0x3f: {  	[hbm4b:s17+s2] =	stream.linear.scatter [tilespmem:s13], [sflag:$0x3], $0xA000, $0x38;
	[tilespmem:$0x14500] =	vst v63  }
0x40: {  	s20 =	smov.u32 s23;
	_ =	swait.ge [sflag:s10], $0xA000  }
0x41: {  	s18 =	sadd.s32 $0x1400, s18;
	s17 =	sadd.s32 $0x1400, s17;
	[sflag:s10] =	ssyncset.done $0x0  }
0x42: {  	s20 =	sadd.s32 s19, s9;
	[sflag:s10] =	ssyncadd.s32 $0xFFFF6000  }
0x43: {  	[tilespmem:s2], [sflag:$0x3] =	stream.linear.gather [hbm4b:s20+s2], $0x280, $0x38;
	[tilespmem:$0x14500] =	vst v63  }
0x44: {  	_ =	swait.ge [sflag:s10], $0x280  }
0x45: {  	[sflag:s10] =	ssyncset.done $0x0  }
0x46: {  	s31 =	sadd.s32 s19, s8;
	[sflag:s10] =	ssyncadd.s32 $0xFFFFFD80  }
0x47: {  	[tilespmem:s11], [sflag:$0x3] =	stream.linear.gather [hbm4b:s31+s2], $0x280, $0x38;
	[tilespmem:$0x14500] =	vst v63  }
0x48: {  	_ =	swait.ge [sflag:s10], $0x280  }
0x49: {  	[sflag:s10] =	ssyncset.done $0x0  }
0x4a: {  	[sflag:s10] =	ssyncadd.s32 $0xFFFFFD80  }
0x4b: {  	[tilespmem:s12], [sflag:$0x1] =	stream.indirect.gather [hbm4b:s3+s12], $0x40, s2, s12, $0xb8;
	[tilespmem:$0x14500] =	vst v63  }
0x4c: {  	_ = 	snop  }
0x4d: {  	[tilespmem:s13], [sflag:$0x2] =	stream.indirect.gather [hbm4b:s4+s12], $0x40, s11, s12, $0xb8;
	[tilespmem:$0x14500] =	vst v63  }
0x4e: {  	_ =	swait.ge [sflag:s14], $0xA000  }
0x4f: {  	[sflag:s14] =	ssyncset.done $0x0  }
0x50: {  	[sflag:s14] =	ssyncadd.s32 $0xFFFF6000  }
0x51: {  	_ =	swait.ge [sflag:s15], $0xA000  }
0x52: {  	[sflag:s15] =	ssyncset.done $0x0  }
0x53: {  	[sflag:s15] =	ssyncadd.s32 $0xFFFF6000  }
0x54: {  	[hbm4b:s18+s2] =	stream.linear.scatter [tilespmem:s12], [sflag:$0x3], $0xA000, $0x38;
	[tilespmem:$0x14500] =	vst v63  }
0x55: {  	s16 =	sadd.s32 $0x1, s16;
	_ =	swait.ge [sflag:s10], $0xA000  }
0x56: {  	p0 =	sne.s32 s16, s5;
	[sflag:s10] =	ssyncset.done $0x0  }
.Ltmp1:
0x57: {  	[sflag:s10] =	ssyncadd.s32 $0xFFFF6000;
	(pc) =	sbr.rel @p0 .LBB2_1-.Ltmp1, $4  }
0x58: {  	[hbm4b:s17+s2] =	stream.linear.scatter [tilespmem:s13], [sflag:$0x3], $0xA000, $0x38;
	[tilespmem:$0x14500] =	vst v63  }
0x59: {  	_ =	swait.ge [sflag:s10], $0xA000  }
0x5a: {  	[sflag:s10] =	ssyncset.done $0x0  }
0x5b: {  	[sflag:s10] =	ssyncadd.s32 $0xFFFF6000  }
0x5c: {  	_ =	sfence.sel $0x180000  }
0x5d: {  	[bflag:$0x0] =	sbarrier.arrive $0xFFFF  }
0x5e: {  	p0 =	sne.s32 s1, $0x0;
	_ =	strace $0x90000047  }
0x5f: {  	s0 =	sadd.s32 @!p0 $0x100000, s0;
	[bflag:$0x2] =	sbarrier.arrive $0xFFFF  }
0x60: {  	[sflag:s0] =	ssyncadd.tile.s32 @!p0 $0x1;
	_ =	shalt  }
.Lfunc_end2:
_tile_overlayer_lowered:
.L_overlay_start_2:
0x61: {  	(tag) =	ssettag $0x2  }
0x62: {  	s0 =	rddreg [dreg:$0x0];
	s2 =	stileid.u32  }
0x63: {  	s1 =	rddreg [dreg:$0x1];
	p0 =	sne.s32 s2, $0x0  }
0x64: {  	s3 =	rddreg [dreg:$0x2];
	[bflag:$0x3] =	sbarrier.arrive $0xFFFF;
	s2 =	simm.s32 @!p0 $0x1C03  }
0x65: {  	[timem:s3], [sflag:s2] =	dma.local @!p0 [hbm:s0], s1  }
0x66: {  	s0 =	simm.s32 @!p0 $0x3  }
0x67: {  	_ =	swait.ge @!p0 [sflag:s0], s1  }
0x68: {  	s1 =	ssub.s32 @!p0 $0x0, s1;
	[sflag:s0] =	ssyncset.done @!p0 $0x0  }
0x69: {  	[sflag:s0] =	ssyncadd.s32 @!p0 s1  }
0x6a: {  	[bflag:$0x3] =	sbarrier.arrive $0xFFFF  }
0x6b: {  	_ =	shalt  }

</sc_bundles>
